<compile_context>
chip_gen: v7x
topology: tpu7x:2x2x1
jax: 0.10.2.dev20260603
libtpu: 0.0.44.dev20260713+nightly
codegen_flags: <defaults>
</compile_context>

<pallas_src>
import functools

import jax
import jax.numpy as jnp
from jax import lax
from jax.experimental import pallas as pl
from jax.experimental.pallas import tpu as pltpu
from jax.experimental.pallas import tpu_sc as plsc

_NC = 2
_NS = 16
_K = 128
_G = 128




@functools.partial(jax.jit, static_argnames=("np_", "hd", "nch"))
def _seg_sum_sc(h, idx4, zeros, *, np_, hd, nch):
  rows_per_tile = np_ // _NS

  preload = hd <= 64
  nbuf = 4 if preload else 2

  def body(h_hbm, idx_hbm, zeros_hbm, out_hbm, *refs):
    if preload:
      idx_all, = refs[0:1]
      idx_vs = None
      rest = refs[1:]
    else:
      idx_vs = refs[0:2]
      rest = refs[2:]
    rows_vs = rest[0:nbuf]
    agg_sh = rest[nbuf]
    gsems = rest[nbuf + 1:2 * nbuf + 1]
    cid = lax.axis_index("c")
    sid = lax.axis_index("s")
    wid = cid * _NS + sid
    row0 = sid * rows_per_tile
    pltpu.sync_copy(zeros_hbm.at[pl.ds(row0, rows_per_tile)],
                    agg_sh.at[pl.ds(row0, rows_per_tile)])
    if preload:
      pltpu.sync_copy(idx_hbm.at[wid], idx_all)

    def idxr(b, c):
      return idx_all.at[c] if preload else idx_vs[b]

    def fire(b, c):
      if not preload:
        pltpu.sync_copy(idx_hbm.at[wid, c], idx_vs[b])
      pltpu.async_copy(h_hbm.at[idxr(b, c).at[0]], rows_vs[b], gsems[b])

    def drain(b, c):
      pltpu.make_async_copy(h_hbm.at[idxr(b, c).at[0]], rows_vs[b],
                            gsems[b]).wait()
      pltpu.sync_copy(rows_vs[b], agg_sh.at[idxr(b, c).at[1]], add=True)

    plsc.subcore_barrier()
    for b in range(nbuf):
      fire(b, b)

    def step(i, _):
      c = nbuf * i
      for b in range(nbuf):
        drain(b, c + b)
        fire(b, c + nbuf + b)
      return 0

    lax.fori_loop(0, nch // nbuf - 1, step, 0)
    for b in range(nbuf):
      drain(b, nch - nbuf + b)
    plsc.subcore_barrier()
    pltpu.sync_copy(agg_sh.at[pl.ds(row0, rows_per_tile)],
                    out_hbm.at[cid, pl.ds(row0, rows_per_tile)])

  fn = pl.kernel(
      body,
      out_type=jax.ShapeDtypeStruct((_NC, np_, hd), jnp.float32),
      mesh=plsc.VectorSubcoreMesh(core_axis_name="c", subcore_axis_name="s",
                                  num_cores=_NC, num_subcores=_NS),
      scratch_types=(
          ([pltpu.VMEM((nch, 2, _K), jnp.int32)] if preload else
           [pltpu.VMEM((2, _K), jnp.int32) for _ in range(nbuf)])
          + [pltpu.VMEM((_K, hd), jnp.float32) for _ in range(nbuf)]
          + [pltpu.VMEM_SHARED((np_, hd), jnp.float32)]
          + [pltpu.SemaphoreType.DMA for _ in range(nbuf)]
      ),
      compiler_params=pltpu.CompilerParams(use_tc_tiling_on_sc=False),
  )
  return fn(h, idx4, zeros)




def _layer_body(h_ref, s_ref, w1_ref, b1_ref, w2_ref, b2_ref, g_ref, bb_ref,
                o_ref):
  n = h_ref.shape[0]
  z = h_ref[...] + s_ref[0, :n] + s_ref[1, :n]
  z1 = jnp.maximum(jnp.dot(z, w1_ref[...],
                           preferred_element_type=jnp.float32) + b1_ref[...],
                   0.0)
  z2 = jnp.dot(z1, w2_ref[...],
               preferred_element_type=jnp.float32) + b2_ref[...]
  r = jnp.maximum(z2, 0.0)
  mean = jnp.mean(r, axis=0, keepdims=True)
  var = jnp.mean((r - mean) ** 2, axis=0, keepdims=True)
  o_ref[...] = (r - mean) / jnp.sqrt(var + 1e-5) * g_ref[...] + bb_ref[...]


def _layer(h, s, w1, b1, w2, b2, g, bb):
  return pl.pallas_call(
      _layer_body,
      out_shape=jax.ShapeDtypeStruct((h.shape[0], w2.shape[1]), jnp.float32),
  )(h, s, w1, b1, w2, b2, g, bb)


def _final_body(h_ref, batch_ref, f1w_ref, f1b_ref, f2w_ref, f2b_ref, o_ref):
  n = h_ref.shape[0]
  onehot = (batch_ref[...] ==
            lax.broadcasted_iota(jnp.int32, (n, _G), 1)).astype(jnp.float32)
  pooled = lax.dot_general(onehot, h_ref[...], (((0,), (0,)), ((), ())),
                           precision=lax.Precision.HIGHEST,
                           preferred_element_type=jnp.float32)
  z = jnp.maximum(jnp.dot(pooled, f1w_ref[...],
                          preferred_element_type=jnp.float32) + f1b_ref[...],
                  0.0)
  z = jnp.dot(z, f2w_ref[...],
              preferred_element_type=jnp.float32) + f2b_ref[...]
  m = jnp.max(z, axis=-1, keepdims=True)
  lse = jnp.log(jnp.sum(jnp.exp(z - m), axis=-1, keepdims=True)) + m
  o_ref[...] = z - lse


def _final(h, batch2, f1w, f1b, f2w, f2b):
  return pl.pallas_call(
      _final_body,
      out_shape=jax.ShapeDtypeStruct((_G, f2w.shape[1]), jnp.float32),
  )(h, batch2, f1w, f1b, f2w, f2b)




def kernel(x, edge_index, batch, params):
  n, d = x.shape
  e = edge_index.shape[1]
  h = params["conv1_w1"].shape[1]
  nw = _NC * _NS
  np_ = (n + 1 + _NS * 8 - 1) // (_NS * 8) * (_NS * 8)
  nch = -(-e // (nw * _K))
  nch = -(-nch // 4) * 4
  ep = nw * nch * _K
  pad = ep - e
  src_p = jnp.concatenate([edge_index[0], jnp.zeros((pad,), jnp.int32)])
  dst_p = jnp.concatenate([edge_index[1],
                           jnp.full((pad,), np_ - 1, jnp.int32)])
  idx4 = jnp.stack([src_p.reshape(nw, nch, _K),
                    dst_p.reshape(nw, nch, _K)], axis=2)
  zeros_d = jnp.zeros((np_, d), jnp.float32)
  zeros_h = jnp.zeros((np_, h), jnp.float32)
  batch2 = batch.reshape(n, 1)
  row = lambda v: v.reshape(1, -1)

  hcur = x
  for l in range(1, 6):
    zeros = zeros_d if hcur.shape[1] == d else zeros_h
    s = _seg_sum_sc(hcur, idx4, zeros, np_=np_, hd=hcur.shape[1], nch=nch)
    hcur = _layer(hcur, s, params[f"conv{l}_w1"], row(params[f"conv{l}_b1"]),
                  params[f"conv{l}_w2"], row(params[f"conv{l}_b2"]),
                  row(params[f"bn{l}_g"]), row(params[f"bn{l}_b"]))
  return _final(hcur, batch2, params["fc1_w"], row(params["fc1_b"]),
                params["fc2_w"], row(params["fc2_b"]))

# --- scband reference (transcript-rebuilt; emitter-appended) ---
"""Pipeline reference for scband-net-53919019434016 (READ-ONLY COPY).

The authoritative reference and input builder live on the scoring server;
editing this copy changes nothing except your own understanding.
"""

import jax, jax.numpy as jnp
import numpy as np

N = 10000
E = 320000
D = 128
H = 32
C = 10
G = 128


def _make_params(key):
    ks = jax.random.split(key, 64)
    it = iter(range(64))
    def nrm(shape):
        return jax.random.normal(ks[next(it)], shape, dtype=jnp.float32) * 0.1
    p = {}
    dims = [(D, H)] + [(H, H)] * 4
    for l, (din, dout) in enumerate(dims, 1):
        p[f"conv{l}_w1"] = nrm((din, H))
        p[f"conv{l}_b1"] = jnp.zeros((H,), dtype=jnp.float32)
        p[f"conv{l}_w2"] = nrm((H, H))
        p[f"conv{l}_b2"] = jnp.zeros((H,), dtype=jnp.float32)
        p[f"bn{l}_g"] = jnp.ones((H,), dtype=jnp.float32)
        p[f"bn{l}_b"] = jnp.zeros((H,), dtype=jnp.float32)
    p["fc1_w"] = nrm((H, H))
    p["fc1_b"] = jnp.zeros((H,), dtype=jnp.float32)
    p["fc2_w"] = nrm((H, C))
    p["fc2_b"] = jnp.zeros((C,), dtype=jnp.float32)
    return p


def setup_inputs(seed: int = 0) -> dict:
    key = jax.random.key(seed)
    k1, k2, k3, k4 = jax.random.split(key, 4)
    x = jax.random.normal(k1, (N, D), dtype=jnp.float32)
    edge_index = jax.random.randint(k2, (2, E), 0, N, dtype=jnp.int32)
    batch = jnp.sort(jax.random.randint(k3, (N,), 0, G, dtype=jnp.int32))
    params = _make_params(k4)
    return {"x": x, "edge_index": edge_index, "batch": batch, "params": params}


def reference(x, edge_index, batch, params):
    src = edge_index[0]
    dst = edge_index[1]
    n = x.shape[0]

    def gin_conv(h, w1, b1, w2, b2):
        # GINConv eps=0: nn((1+eps)*x + sum_{j in N(i)} x_j)
        msg = jnp.take(h, src, axis=0)
        agg = jax.ops.segment_sum(msg, dst, num_segments=n)
        z = h + agg
        z = jnp.maximum(z @ w1 + b1, 0.0)
        z = z @ w2 + b2
        return z

    def bn(h, g, b):
        mean = jnp.mean(h, axis=0)
        var = jnp.mean((h - mean) ** 2, axis=0)
        return (h - mean) / jnp.sqrt(var + 1e-5) * g + b

    h = x
    for l in range(1, 6):
        h = gin_conv(h, params[f"conv{l}_w1"], params[f"conv{l}_b1"],
                     params[f"conv{l}_w2"], params[f"conv{l}_b2"])
        h = jnp.maximum(h, 0.0)
        h = bn(h, params[f"bn{l}_g"], params[f"bn{l}_b"])

    pooled = jax.ops.segment_sum(h, batch, num_segments=G)
    z = jnp.maximum(pooled @ params["fc1_w"] + params["fc1_b"], 0.0)
    # dropout p=0.5 is identity in eval mode
    z = z @ params["fc2_w"] + params["fc2_b"]
    return jax.nn.log_softmax(z, axis=-1)

if __name__ == "__main__":
    import jax
    _d = setup_inputs()
    print(jax.jit(kernel)(*tuple(_d.values())))

</pallas_src>

<mosaic_0001>
#map = affine_map<(d0, d1) -> (0, 0)>
#map1 = affine_map<(d0, d1) -> (0, 0, 0, 0)>
#map2 = affine_map<(d0, d1) -> (0, 0, 0)>
module attributes {stable_mosaic.version = 14 : i64} {
  func.func @body(%arg0: i32, %arg1: i32, %arg2: memref<10000x128xf32, #tpu.memory_space<hbm>>, %arg3: memref<32x80x2x128xi32, #tpu.memory_space<hbm>>, %arg4: memref<10112x128xf32, #tpu.memory_space<hbm>>, %arg5: memref<2x10112x128xf32, #tpu.memory_space<hbm>>, %arg6: memref<2x128xi32, #tpu.memory_space<vmem>>, %arg7: memref<2x128xi32, #tpu.memory_space<vmem>>, %arg8: memref<128x128xf32, #tpu.memory_space<vmem>>, %arg9: memref<128x128xf32, #tpu.memory_space<vmem>>, %arg10: memref<10112x128xf32, #tpu.memory_space<vmem_shared>>, %arg11: memref<!tpu.dma_semaphore, #tpu.memory_space<semaphore_mem>>, %arg12: memref<!tpu.dma_semaphore, #tpu.memory_space<semaphore_mem>>) attributes {dimension_semantics = [#tpu.dimension_semantics<core_parallel>, #tpu.dimension_semantics<subcore_parallel>], iteration_bounds = array<i64: 2, 16>, scalar_prefetch = 0 : i64, scratch_operands = 7 : i64, tpu.core_type = #tpu.core_type<sc_vector_subcore>, window_params = [{transform_indices = #map}, {transform_indices = #map1}, {transform_indices = #map}, {transform_indices = #map2}]} {
    %mul3A = arith.constant 16 : i32
    %mul3A_0 = arith.muli %arg0, %mul3A : i32
    %add3A = arith.addi %mul3A_0, %arg1 : i32
    %mul3A_1 = arith.constant 632 : i32
    %mul3A_2 = arith.muli %arg1, %mul3A_1 : i32
    "tpu.region"() ({
      %run_scoped3A_39 = tpu.sem_alloc : memref<!tpu.dma_semaphore, #tpu.memory_space<semaphore_mem>>
      %dma_start3A_40 = arith.constant 0 : i32
      %dma_start3A_41 = tpu.memref_slice %arg10[%mul3A_2, %dma_start3A_40] : memref<10112x128xf32, #tpu.memory_space<vmem_shared>> -> memref<632x128xf32, #tpu.memory_space<vmem_shared>>
      %dma_start3A_42 = arith.constant 0 : i32
      %dma_start3A_43 = tpu.memref_slice %arg4[%mul3A_2, %dma_start3A_42] : memref<10112x128xf32, #tpu.memory_space<hbm>> -> memref<632x128xf32, #tpu.memory_space<hbm>>
      tpu.enqueue_dma source(%dma_start3A_43 : memref<632x128xf32, #tpu.memory_space<hbm>>) target(%dma_start3A_41 : memref<632x128xf32, #tpu.memory_space<vmem_shared>>) target_semaphore(%run_scoped3A_39 : memref<!tpu.dma_semaphore, #tpu.memory_space<semaphore_mem>>)
      %dma_wait3A_44 = arith.constant 0 : i32
      %dma_wait3A_45 = tpu.memref_slice %arg10[%mul3A_2, %dma_wait3A_44] : memref<10112x128xf32, #tpu.memory_space<vmem_shared>> -> memref<632x128xf32, #tpu.memory_space<vmem_shared>>
      %dma_wait3A_46 = arith.constant 0 : i32
      %dma_wait3A_47 = tpu.memref_slice %arg4[%mul3A_2, %dma_wait3A_46] : memref<10112x128xf32, #tpu.memory_space<hbm>> -> memref<632x128xf32, #tpu.memory_space<hbm>>
      tpu.wait_dma2 semaphore(%run_scoped3A_39 : memref<!tpu.dma_semaphore, #tpu.memory_space<semaphore_mem>>) src(%dma_wait3A_47 : memref<632x128xf32, #tpu.memory_space<hbm>>) dst(%dma_wait3A_45 : memref<632x128xf32, #tpu.memory_space<vmem_shared>>)
      tpu.yield
    }) : () -> ()
    %barrier3A = arith.constant 0 : index
    tpu.barrier barrier_id(%barrier3A)
    %run_scoped3A = arith.constant 0 : i32
    "tpu.region"() ({
      %run_scoped3A_39 = tpu.sem_alloc : memref<!tpu.dma_semaphore, #tpu.memory_space<semaphore_mem>>
      %dma_start3A_40 = arith.constant 0 : i32
      %dma_start3A_41 = arith.constant 0 : i32
      %dma_start3A_42 = tpu.memref_slice %arg3[%add3A, %run_scoped3A, %dma_start3A_40, %dma_start3A_41] : memref<32x80x2x128xi32, #tpu.memory_space<hbm>> -> memref<1x1x2x128xi32, #tpu.memory_space<hbm>>
      %dma_start3A_43 = tpu.memref_squeeze %dma_start3A_42 : memref<1x1x2x128xi32, #tpu.memory_space<hbm>> -> memref<2x128xi32, #tpu.memory_space<hbm>>
      %dma_start3A_44 = arith.constant 0 : i32
      %dma_start3A_45 = arith.constant 0 : i32
      %dma_start3A_46 = tpu.memref_slice %arg3[%add3A, %run_scoped3A, %dma_start3A_44, %dma_start3A_45] : memref<32x80x2x128xi32, #tpu.memory_space<hbm>> -> memref<1x1x2x128xi32, #tpu.memory_space<hbm>>
      %dma_start3A_47 = tpu.memref_squeeze %dma_start3A_46 : memref<1x1x2x128xi32, #tpu.memory_space<hbm>> -> memref<2x128xi32, #tpu.memory_space<hbm>>
      tpu.enqueue_dma source(%dma_start3A_47 : memref<2x128xi32, #tpu.memory_space<hbm>>) target(%arg6 : memref<2x128xi32, #tpu.memory_space<vmem>>) target_semaphore(%run_scoped3A_39 : memref<!tpu.dma_semaphore, #tpu.memory_space<semaphore_mem>>)
      %dma_wait3A_48 = arith.constant 0 : i32
      %dma_wait3A_49 = arith.constant 0 : i32
      %dma_wait3A_50 = tpu.memref_slice %arg3[%add3A, %run_scoped3A, %dma_wait3A_48, %dma_wait3A_49] : memref<32x80x2x128xi32, #tpu.memory_space<hbm>> -> memref<1x1x2x128xi32, #tpu.memory_space<hbm>>
      %dma_wait3A_51 = tpu.memref_squeeze %dma_wait3A_50 : memref<1x1x2x128xi32, #tpu.memory_space<hbm>> -> memref<2x128xi32, #tpu.memory_space<hbm>>
      %dma_wait3A_52 = arith.constant 0 : i32
      %dma_wait3A_53 = arith.constant 0 : i32
      %dma_wait3A_54 = tpu.memref_slice %arg3[%add3A, %run_scoped3A, %dma_wait3A_52, %dma_wait3A_53] : memref<32x80x2x128xi32, #tpu.memory_space<hbm>> -> memref<1x1x2x128xi32, #tpu.memory_space<hbm>>
      %dma_wait3A_55 = tpu.memref_squeeze %dma_wait3A_54 : memref<1x1x2x128xi32, #tpu.memory_space<hbm>> -> memref<2x128xi32, #tpu.memory_space<hbm>>
      tpu.wait_dma2 semaphore(%run_scoped3A_39 : memref<!tpu.dma_semaphore, #tpu.memory_space<semaphore_mem>>) src(%dma_wait3A_55 : memref<2x128xi32, #tpu.memory_space<hbm>>) dst(%arg6 : memref<2x128xi32, #tpu.memory_space<vmem>>)
      tpu.yield
    }) : () -> ()
    %dma_start3A = arith.constant 0 : i32
    %dma_start3A_3 = arith.constant 0 : i32
    %dma_start3A_4 = tpu.memref_slice %arg6[%dma_start3A, %dma_start3A_3] : memref<2x128xi32, #tpu.memory_space<vmem>> -> memref<1x128xi32, #tpu.memory_space<vmem>>
    %dma_start3A_5 = tpu.memref_squeeze %dma_start3A_4 : memref<1x128xi32, #tpu.memory_space<vmem>> -> memref<128xi32, #tpu.memory_space<vmem>>
    %dma_start3A_6 = arith.constant 0 : i32
    %dma_start3A_7 = arith.constant 0 : i32
    %dma_start3A_8 = tpu.memref_slice %arg2[%dma_start3A_6, %dma_start3A_7] : memref<10000x128xf32, #tpu.memory_space<hbm>> -> memref<10000x128xf32, #tpu.memory_space<hbm>>
    tpu.enqueue_indirect_dma source(%dma_start3A_8 : memref<10000x128xf32, #tpu.memory_space<hbm>>) target(%arg8 : memref<128x128xf32, #tpu.memory_space<vmem>>) offsets(%dma_start3A_5 : memref<128xi32, #tpu.memory_space<vmem>>) semaphore(%arg11 : memref<!tpu.dma_semaphore, #tpu.memory_space<semaphore_mem>>)
    %run_scoped3A_9 = arith.constant 1 : i32
    "tpu.region"() ({
      %run_scoped3A_39 = tpu.sem_alloc : memref<!tpu.dma_semaphore, #tpu.memory_space<semaphore_mem>>
      %dma_start3A_40 = arith.constant 0 : i32
      %dma_start3A_41 = arith.constant 0 : i32
      %dma_start3A_42 = tpu.memref_slice %arg3[%add3A, %run_scoped3A_9, %dma_start3A_40, %dma_start3A_41] : memref<32x80x2x128xi32, #tpu.memory_space<hbm>> -> memref<1x1x2x128xi32, #tpu.memory_space<hbm>>
      %dma_start3A_43 = tpu.memref_squeeze %dma_start3A_42 : memref<1x1x2x128xi32, #tpu.memory_space<hbm>> -> memref<2x128xi32, #tpu.memory_space<hbm>>
      %dma_start3A_44 = arith.constant 0 : i32
      %dma_start3A_45 = arith.constant 0 : i32
      %dma_start3A_46 = tpu.memref_slice %arg3[%add3A, %run_scoped3A_9, %dma_start3A_44, %dma_start3A_45] : memref<32x80x2x128xi32, #tpu.memory_space<hbm>> -> memref<1x1x2x128xi32, #tpu.memory_space<hbm>>
      %dma_start3A_47 = tpu.memref_squeeze %dma_start3A_46 : memref<1x1x2x128xi32, #tpu.memory_space<hbm>> -> memref<2x128xi32, #tpu.memory_space<hbm>>
      tpu.enqueue_dma source(%dma_start3A_47 : memref<2x128xi32, #tpu.memory_space<hbm>>) target(%arg7 : memref<2x128xi32, #tpu.memory_space<vmem>>) target_semaphore(%run_scoped3A_39 : memref<!tpu.dma_semaphore, #tpu.memory_space<semaphore_mem>>)
      %dma_wait3A_48 = arith.constant 0 : i32
      %dma_wait3A_49 = arith.constant 0 : i32
      %dma_wait3A_50 = tpu.memref_slice %arg3[%add3A, %run_scoped3A_9, %dma_wait3A_48, %dma_wait3A_49] : memref<32x80x2x128xi32, #tpu.memory_space<hbm>> -> memref<1x1x2x128xi32, #tpu.memory_space<hbm>>
      %dma_wait3A_51 = tpu.memref_squeeze %dma_wait3A_50 : memref<1x1x2x128xi32, #tpu.memory_space<hbm>> -> memref<2x128xi32, #tpu.memory_space<hbm>>
      %dma_wait3A_52 = arith.constant 0 : i32
      %dma_wait3A_53 = arith.constant 0 : i32
      %dma_wait3A_54 = tpu.memref_slice %arg3[%add3A, %run_scoped3A_9, %dma_wait3A_52, %dma_wait3A_53] : memref<32x80x2x128xi32, #tpu.memory_space<hbm>> -> memref<1x1x2x128xi32, #tpu.memory_space<hbm>>
      %dma_wait3A_55 = tpu.memref_squeeze %dma_wait3A_54 : memref<1x1x2x128xi32, #tpu.memory_space<hbm>> -> memref<2x128xi32, #tpu.memory_space<hbm>>
      tpu.wait_dma2 semaphore(%run_scoped3A_39 : memref<!tpu.dma_semaphore, #tpu.memory_space<semaphore_mem>>) src(%dma_wait3A_55 : memref<2x128xi32, #tpu.memory_space<hbm>>) dst(%arg7 : memref<2x128xi32, #tpu.memory_space<vmem>>)
      tpu.yield
    }) : () -> ()
    %dma_start3A_10 = arith.constant 0 : i32
    %dma_start3A_11 = arith.constant 0 : i32
    %dma_start3A_12 = tpu.memref_slice %arg7[%dma_start3A_10, %dma_start3A_11] : memref<2x128xi32, #tpu.memory_space<vmem>> -> memref<1x128xi32, #tpu.memory_space<vmem>>
    %dma_start3A_13 = tpu.memref_squeeze %dma_start3A_12 : memref<1x128xi32, #tpu.memory_space<vmem>> -> memref<128xi32, #tpu.memory_space<vmem>>
    %dma_start3A_14 = arith.constant 0 : i32
    %dma_start3A_15 = arith.constant 0 : i32
    %dma_start3A_16 = tpu.memref_slice %arg2[%dma_start3A_14, %dma_start3A_15] : memref<10000x128xf32, #tpu.memory_space<hbm>> -> memref<10000x128xf32, #tpu.memory_space<hbm>>
    tpu.enqueue_indirect_dma source(%dma_start3A_16 : memref<10000x128xf32, #tpu.memory_space<hbm>>) target(%arg9 : memref<128x128xf32, #tpu.memory_space<vmem>>) offsets(%dma_start3A_13 : memref<128xi32, #tpu.memory_space<vmem>>) semaphore(%arg12 : memref<!tpu.dma_semaphore, #tpu.memory_space<semaphore_mem>>)
    %scan3A = arith.constant 0 : i32
    %scan3A_17 = arith.constant 0 : i32
    %scan3A_18 = arith.constant 39 : i32
    %scan3A_19 = arith.addi %scan3A_17, %scan3A_18 : i32
    %scan3A_20 = arith.constant 1 : i32
    %scan3A_21 = scf.for %scan3A_39 = %scan3A_17 to %scan3A_19 step %scan3A_20 iter_args(%scan3A_40 = %scan3A) -> (i32)  : i32 {
      %mul3A_41 = arith.constant 2 : i32
      %mul3A_42 = arith.muli %mul3A_41, %scan3A_39 : i32
      %add3A_43 = arith.constant 0 : i32
      %add3A_44 = arith.addi %mul3A_42, %add3A_43 : i32
      %dma_wait3A_45 = arith.constant 0 : i32
      %dma_wait3A_46 = arith.constant 0 : i32
      %dma_wait3A_47 = tpu.memref_slice %arg6[%dma_wait3A_45, %dma_wait3A_46] : memref<2x128xi32, #tpu.memory_space<vmem>> -> memref<1x128xi32, #tpu.memory_space<vmem>>
      %dma_wait3A_48 = tpu.memref_squeeze %dma_wait3A_47 : memref<1x128xi32, #tpu.memory_space<vmem>> -> memref<128xi32, #tpu.memory_space<vmem>>
      %dma_wait3A_49 = arith.constant 0 : i32
      %dma_wait3A_50 = arith.constant 0 : i32
      %dma_wait3A_51 = tpu.memref_slice %arg2[%dma_wait3A_49, %dma_wait3A_50] : memref<10000x128xf32, #tpu.memory_space<hbm>> -> memref<10000x128xf32, #tpu.memory_space<hbm>>
      tpu.wait_indirect_dma semaphore(%arg11 : memref<!tpu.dma_semaphore, #tpu.memory_space<semaphore_mem>>) src(%dma_wait3A_51 : memref<10000x128xf32, #tpu.memory_space<hbm>>) dst(%arg8 : memref<128x128xf32, #tpu.memory_space<vmem>>)
      %run_scoped3A_52 = arith.constant 1 : i32
      "tpu.region"() ({
        %run_scoped3A_86 = tpu.sem_alloc : memref<!tpu.dma_semaphore, #tpu.memory_space<semaphore_mem>>
        %dma_start3A_87 = arith.constant 0 : i32
        %dma_start3A_88 = tpu.memref_slice %arg6[%run_scoped3A_52, %dma_start3A_87] : memref<2x128xi32, #tpu.memory_space<vmem>> -> memref<1x128xi32, #tpu.memory_space<vmem>>
        %dma_start3A_89 = tpu.memref_squeeze %dma_start3A_88 : memref<1x128xi32, #tpu.memory_space<vmem>> -> memref<128xi32, #tpu.memory_space<vmem>>
        %dma_start3A_90 = arith.constant 0 : i32
        %dma_start3A_91 = arith.constant 0 : i32
        %dma_start3A_92 = tpu.memref_slice %arg10[%dma_start3A_90, %dma_start3A_91] : memref<10112x128xf32, #tpu.memory_space<vmem_shared>> -> memref<10112x128xf32, #tpu.memory_space<vmem_shared>>
        tpu.enqueue_indirect_dma source(%arg8 : memref<128x128xf32, #tpu.memory_space<vmem>>) target(%dma_start3A_92 : memref<10112x128xf32, #tpu.memory_space<vmem_shared>>) offsets(%dma_start3A_89 : memref<128xi32, #tpu.memory_space<vmem>>) semaphore(%run_scoped3A_86 : memref<!tpu.dma_semaphore, #tpu.memory_space<semaphore_mem>>) {add = true}
        %dma_wait3A_93 = arith.constant 0 : i32
        %dma_wait3A_94 = tpu.memref_slice %arg6[%run_scoped3A_52, %dma_wait3A_93] : memref<2x128xi32, #tpu.memory_space<vmem>> -> memref<1x128xi32, #tpu.memory_space<vmem>>
        %dma_wait3A_95 = tpu.memref_squeeze %dma_wait3A_94 : memref<1x128xi32, #tpu.memory_space<vmem>> -> memref<128xi32, #tpu.memory_space<vmem>>
        %dma_wait3A_96 = arith.constant 0 : i32
        %dma_wait3A_97 = arith.constant 0 : i32
        %dma_wait3A_98 = tpu.memref_slice %arg10[%dma_wait3A_96, %dma_wait3A_97] : memref<10112x128xf32, #tpu.memory_space<vmem_shared>> -> memref<10112x128xf32, #tpu.memory_space<vmem_shared>>
        tpu.wait_indirect_dma semaphore(%run_scoped3A_86 : memref<!tpu.dma_semaphore, #tpu.memory_space<semaphore_mem>>) src(%arg8 : memref<128x128xf32, #tpu.memory_space<vmem>>) dst(%dma_wait3A_98 : memref<10112x128xf32, #tpu.memory_space<vmem_shared>>)
        tpu.yield
      }) : () -> ()
      %add3A_53 = arith.constant 2 : i32
      %add3A_54 = arith.addi %mul3A_42, %add3A_53 : i32
      %add3A_55 = arith.constant 0 : i32
      %add3A_56 = arith.addi %add3A_54, %add3A_55 : i32
      "tpu.region"() ({
        %run_scoped3A_86 = tpu.sem_alloc : memref<!tpu.dma_semaphore, #tpu.memory_space<semaphore_mem>>
        %dma_start3A_87 = arith.constant 0 : i32
        %dma_start3A_88 = arith.constant 0 : i32
        %dma_start3A_89 = tpu.memref_slice %arg3[%add3A, %add3A_56, %dma_start3A_87, %dma_start3A_88] : memref<32x80x2x128xi32, #tpu.memory_space<hbm>> -> memref<1x1x2x128xi32, #tpu.memory_space<hbm>>
        %dma_start3A_90 = tpu.memref_squeeze %dma_start3A_89 : memref<1x1x2x128xi32, #tpu.memory_space<hbm>> -> memref<2x128xi32, #tpu.memory_space<hbm>>
        %dma_start3A_91 = arith.constant 0 : i32
        %dma_start3A_92 = arith.constant 0 : i32
        %dma_start3A_93 = tpu.memref_slice %arg3[%add3A, %add3A_56, %dma_start3A_91, %dma_start3A_92] : memref<32x80x2x128xi32, #tpu.memory_space<hbm>> -> memref<1x1x2x128xi32, #tpu.memory_space<hbm>>
        %dma_start3A_94 = tpu.memref_squeeze %dma_start3A_93 : memref<1x1x2x128xi32, #tpu.memory_space<hbm>> -> memref<2x128xi32, #tpu.memory_space<hbm>>
        tpu.enqueue_dma source(%dma_start3A_94 : memref<2x128xi32, #tpu.memory_space<hbm>>) target(%arg6 : memref<2x128xi32, #tpu.memory_space<vmem>>) target_semaphore(%run_scoped3A_86 : memref<!tpu.dma_semaphore, #tpu.memory_space<semaphore_mem>>)
        %dma_wait3A_95 = arith.constant 0 : i32
        %dma_wait3A_96 = arith.constant 0 : i32
        %dma_wait3A_97 = tpu.memref_slice %arg3[%add3A, %add3A_56, %dma_wait3A_95, %dma_wait3A_96] : memref<32x80x2x128xi32, #tpu.memory_space<hbm>> -> memref<1x1x2x128xi32, #tpu.memory_space<hbm>>
        %dma_wait3A_98 = tpu.memref_squeeze %dma_wait3A_97 : memref<1x1x2x128xi32, #tpu.memory_space<hbm>> -> memref<2x128xi32, #tpu.memory_space<hbm>>
        %dma_wait3A_99 = arith.constant 0 : i32
        %dma_wait3A_100 = arith.constant 0 : i32
        %dma_wait3A_101 = tpu.memref_slice %arg3[%add3A, %add3A_56, %dma_wait3A_99, %dma_wait3A_100] : memref<32x80x2x128xi32, #tpu.memory_space<hbm>> -> memref<1x1x2x128xi32, #tpu.memory_space<hbm>>
        %dma_wait3A_102 = tpu.memref_squeeze %dma_wait3A_101 : memref<1x1x2x128xi32, #tpu.memory_space<hbm>> -> memref<2x128xi32, #tpu.memory_space<hbm>>
        tpu.wait_dma2 semaphore(%run_scoped3A_86 : memref<!tpu.dma_semaphore, #tpu.memory_space<semaphore_mem>>) src(%dma_wait3A_102 : memref<2x128xi32, #tpu.memory_space<hbm>>) dst(%arg6 : memref<2x128xi32, #tpu.memory_space<vmem>>)
        tpu.yield
      }) : () -> ()
      %dma_start3A_57 = arith.constant 0 : i32
      %dma_start3A_58 = arith.constant 0 : i32
      %dma_start3A_59 = tpu.memref_slice %arg6[%dma_start3A_57, %dma_start3A_58] : memref<2x128xi32, #tpu.memory_space<vmem>> -> memref<1x128xi32, #tpu.memory_space<vmem>>
      %dma_start3A_60 = tpu.memref_squeeze %dma_start3A_59 : memref<1x128xi32, #tpu.memory_space<vmem>> -> memref<128xi32, #tpu.memory_space<vmem>>
      %dma_start3A_61 = arith.constant 0 : i32
      %dma_start3A_62 = arith.constant 0 : i32
      %dma_start3A_63 = tpu.memref_slice %arg2[%dma_start3A_61, %dma_start3A_62] : memref<10000x128xf32, #tpu.memory_space<hbm>> -> memref<10000x128xf32, #tpu.memory_space<hbm>>
      tpu.enqueue_indirect_dma source(%dma_start3A_63 : memref<10000x128xf32, #tpu.memory_space<hbm>>) target(%arg8 : memref<128x128xf32, #tpu.memory_space<vmem>>) offsets(%dma_start3A_60 : memref<128xi32, #tpu.memory_space<vmem>>) semaphore(%arg11 : memref<!tpu.dma_semaphore, #tpu.memory_space<semaphore_mem>>)
      %add3A_64 = arith.constant 1 : i32
      %add3A_65 = arith.addi %mul3A_42, %add3A_64 : i32
      %dma_wait3A_66 = arith.constant 0 : i32
      %dma_wait3A_67 = arith.constant 0 : i32
      %dma_wait3A_68 = tpu.memref_slice %arg7[%dma_wait3A_66, %dma_wait3A_67] : memref<2x128xi32, #tpu.memory_space<vmem>> -> memref<1x128xi32, #tpu.memory_space<vmem>>
      %dma_wait3A_69 = tpu.memref_squeeze %dma_wait3A_68 : memref<1x128xi32, #tpu.memory_space<vmem>> -> memref<128xi32, #tpu.memory_space<vmem>>
      %dma_wait3A_70 = arith.constant 0 : i32
      %dma_wait3A_71 = arith.constant 0 : i32
      %dma_wait3A_72 = tpu.memref_slice %arg2[%dma_wait3A_70, %dma_wait3A_71] : memref<10000x128xf32, #tpu.memory_space<hbm>> -> memref<10000x128xf32, #tpu.memory_space<hbm>>
      tpu.wait_indirect_dma semaphore(%arg12 : memref<!tpu.dma_semaphore, #tpu.memory_space<semaphore_mem>>) src(%dma_wait3A_72 : memref<10000x128xf32, #tpu.memory_space<hbm>>) dst(%arg9 : memref<128x128xf32, #tpu.memory_space<vmem>>)
      %run_scoped3A_73 = arith.constant 1 : i32
      "tpu.region"() ({
        %run_scoped3A_86 = tpu.sem_alloc : memref<!tpu.dma_semaphore, #tpu.memory_space<semaphore_mem>>
        %dma_start3A_87 = arith.constant 0 : i32
        %dma_start3A_88 = tpu.memref_slice %arg7[%run_scoped3A_73, %dma_start3A_87] : memref<2x128xi32, #tpu.memory_space<vmem>> -> memref<1x128xi32, #tpu.memory_space<vmem>>
        %dma_start3A_89 = tpu.memref_squeeze %dma_start3A_88 : memref<1x128xi32, #tpu.memory_space<vmem>> -> memref<128xi32, #tpu.memory_space<vmem>>
        %dma_start3A_90 = arith.constant 0 : i32
        %dma_start3A_91 = arith.constant 0 : i32
        %dma_start3A_92 = tpu.memref_slice %arg10[%dma_start3A_90, %dma_start3A_91] : memref<10112x128xf32, #tpu.memory_space<vmem_shared>> -> memref<10112x128xf32, #tpu.memory_space<vmem_shared>>
        tpu.enqueue_indirect_dma source(%arg9 : memref<128x128xf32, #tpu.memory_space<vmem>>) target(%dma_start3A_92 : memref<10112x128xf32, #tpu.memory_space<vmem_shared>>) offsets(%dma_start3A_89 : memref<128xi32, #tpu.memory_space<vmem>>) semaphore(%run_scoped3A_86 : memref<!tpu.dma_semaphore, #tpu.memory_space<semaphore_mem>>) {add = true}
        %dma_wait3A_93 = arith.constant 0 : i32
        %dma_wait3A_94 = tpu.memref_slice %arg7[%run_scoped3A_73, %dma_wait3A_93] : memref<2x128xi32, #tpu.memory_space<vmem>> -> memref<1x128xi32, #tpu.memory_space<vmem>>
        %dma_wait3A_95 = tpu.memref_squeeze %dma_wait3A_94 : memref<1x128xi32, #tpu.memory_space<vmem>> -> memref<128xi32, #tpu.memory_space<vmem>>
        %dma_wait3A_96 = arith.constant 0 : i32
        %dma_wait3A_97 = arith.constant 0 : i32
        %dma_wait3A_98 = tpu.memref_slice %arg10[%dma_wait3A_96, %dma_wait3A_97] : memref<10112x128xf32, #tpu.memory_space<vmem_shared>> -> memref<10112x128xf32, #tpu.memory_space<vmem_shared>>
        tpu.wait_indirect_dma semaphore(%run_scoped3A_86 : memref<!tpu.dma_semaphore, #tpu.memory_space<semaphore_mem>>) src(%arg9 : memref<128x128xf32, #tpu.memory_space<vmem>>) dst(%dma_wait3A_98 : memref<10112x128xf32, #tpu.memory_space<vmem_shared>>)
        tpu.yield
      }) : () -> ()
      %add3A_74 = arith.constant 2 : i32
      %add3A_75 = arith.addi %mul3A_42, %add3A_74 : i32
      %add3A_76 = arith.constant 1 : i32
      %add3A_77 = arith.addi %add3A_75, %add3A_76 : i32
      "tpu.region"() ({
        %run_scoped3A_86 = tpu.sem_alloc : memref<!tpu.dma_semaphore, #tpu.memory_space<semaphore_mem>>
        %dma_start3A_87 = arith.constant 0 : i32
        %dma_start3A_88 = arith.constant 0 : i32
        %dma_start3A_89 = tpu.memref_slice %arg3[%add3A, %add3A_77, %dma_start3A_87, %dma_start3A_88] : memref<32x80x2x128xi32, #tpu.memory_space<hbm>> -> memref<1x1x2x128xi32, #tpu.memory_space<hbm>>
        %dma_start3A_90 = tpu.memref_squeeze %dma_start3A_89 : memref<1x1x2x128xi32, #tpu.memory_space<hbm>> -> memref<2x128xi32, #tpu.memory_space<hbm>>
        %dma_start3A_91 = arith.constant 0 : i32
        %dma_start3A_92 = arith.constant 0 : i32
        %dma_start3A_93 = tpu.memref_slice %arg3[%add3A, %add3A_77, %dma_start3A_91, %dma_start3A_92] : memref<32x80x2x128xi32, #tpu.memory_space<hbm>> -> memref<1x1x2x128xi32, #tpu.memory_space<hbm>>
        %dma_start3A_94 = tpu.memref_squeeze %dma_start3A_93 : memref<1x1x2x128xi32, #tpu.memory_space<hbm>> -> memref<2x128xi32, #tpu.memory_space<hbm>>
        tpu.enqueue_dma source(%dma_start3A_94 : memref<2x128xi32, #tpu.memory_space<hbm>>) target(%arg7 : memref<2x128xi32, #tpu.memory_space<vmem>>) target_semaphore(%run_scoped3A_86 : memref<!tpu.dma_semaphore, #tpu.memory_space<semaphore_mem>>)
        %dma_wait3A_95 = arith.constant 0 : i32
        %dma_wait3A_96 = arith.constant 0 : i32
        %dma_wait3A_97 = tpu.memref_slice %arg3[%add3A, %add3A_77, %dma_wait3A_95, %dma_wait3A_96] : memref<32x80x2x128xi32, #tpu.memory_space<hbm>> -> memref<1x1x2x128xi32, #tpu.memory_space<hbm>>
        %dma_wait3A_98 = tpu.memref_squeeze %dma_wait3A_97 : memref<1x1x2x128xi32, #tpu.memory_space<hbm>> -> memref<2x128xi32, #tpu.memory_space<hbm>>
        %dma_wait3A_99 = arith.constant 0 : i32
        %dma_wait3A_100 = arith.constant 0 : i32
        %dma_wait3A_101 = tpu.memref_slice %arg3[%add3A, %add3A_77, %dma_wait3A_99, %dma_wait3A_100] : memref<32x80x2x128xi32, #tpu.memory_space<hbm>> -> memref<1x1x2x128xi32, #tpu.memory_space<hbm>>
        %dma_wait3A_102 = tpu.memref_squeeze %dma_wait3A_101 : memref<1x1x2x128xi32, #tpu.memory_space<hbm>> -> memref<2x128xi32, #tpu.memory_space<hbm>>
        tpu.wait_dma2 semaphore(%run_scoped3A_86 : memref<!tpu.dma_semaphore, #tpu.memory_space<semaphore_mem>>) src(%dma_wait3A_102 : memref<2x128xi32, #tpu.memory_space<hbm>>) dst(%arg7 : memref<2x128xi32, #tpu.memory_space<vmem>>)
        tpu.yield
      }) : () -> ()
      %dma_start3A_78 = arith.constant 0 : i32
      %dma_start3A_79 = arith.constant 0 : i32
      %dma_start3A_80 = tpu.memref_slice %arg7[%dma_start3A_78, %dma_start3A_79] : memref<2x128xi32, #tpu.memory_space<vmem>> -> memref<1x128xi32, #tpu.memory_space<vmem>>
      %dma_start3A_81 = tpu.memref_squeeze %dma_start3A_80 : memref<1x128xi32, #tpu.memory_space<vmem>> -> memref<128xi32, #tpu.memory_space<vmem>>
      %dma_start3A_82 = arith.constant 0 : i32
      %dma_start3A_83 = arith.constant 0 : i32
      %dma_start3A_84 = tpu.memref_slice %arg2[%dma_start3A_82, %dma_start3A_83] : memref<10000x128xf32, #tpu.memory_space<hbm>> -> memref<10000x128xf32, #tpu.memory_space<hbm>>
      tpu.enqueue_indirect_dma source(%dma_start3A_84 : memref<10000x128xf32, #tpu.memory_space<hbm>>) target(%arg9 : memref<128x128xf32, #tpu.memory_space<vmem>>) offsets(%dma_start3A_81 : memref<128xi32, #tpu.memory_space<vmem>>) semaphore(%arg12 : memref<!tpu.dma_semaphore, #tpu.memory_space<semaphore_mem>>)
      %scan3A_85 = arith.constant 0 : i32
      scf.yield %scan3A_85 : i32
    }
    %scan3A_22 = arith.constant 39 : i32
    %dma_wait3A = arith.constant 0 : i32
    %dma_wait3A_23 = arith.constant 0 : i32
    %dma_wait3A_24 = tpu.memref_slice %arg6[%dma_wait3A, %dma_wait3A_23] : memref<2x128xi32, #tpu.memory_space<vmem>> -> memref<1x128xi32, #tpu.memory_space<vmem>>
    %dma_wait3A_25 = tpu.memref_squeeze %dma_wait3A_24 : memref<1x128xi32, #tpu.memory_space<vmem>> -> memref<128xi32, #tpu.memory_space<vmem>>
    %dma_wait3A_26 = arith.constant 0 : i32
    %dma_wait3A_27 = arith.constant 0 : i32
    %dma_wait3A_28 = tpu.memref_slice %arg2[%dma_wait3A_26, %dma_wait3A_27] : memref<10000x128xf32, #tpu.memory_space<hbm>> -> memref<10000x128xf32, #tpu.memory_space<hbm>>
    tpu.wait_indirect_dma semaphore(%arg11 : memref<!tpu.dma_semaphore, #tpu.memory_space<semaphore_mem>>) src(%dma_wait3A_28 : memref<10000x128xf32, #tpu.memory_space<hbm>>) dst(%arg8 : memref<128x128xf32, #tpu.memory_space<vmem>>)
    %run_scoped3A_29 = arith.constant 1 : i32
    "tpu.region"() ({
      %run_scoped3A_39 = tpu.sem_alloc : memref<!tpu.dma_semaphore, #tpu.memory_space<semaphore_mem>>
      %dma_start3A_40 = arith.constant 0 : i32
      %dma_start3A_41 = tpu.memref_slice %arg6[%run_scoped3A_29, %dma_start3A_40] : memref<2x128xi32, #tpu.memory_space<vmem>> -> memref<1x128xi32, #tpu.memory_space<vmem>>
      %dma_start3A_42 = tpu.memref_squeeze %dma_start3A_41 : memref<1x128xi32, #tpu.memory_space<vmem>> -> memref<128xi32, #tpu.memory_space<vmem>>
      %dma_start3A_43 = arith.constant 0 : i32
      %dma_start3A_44 = arith.constant 0 : i32
      %dma_start3A_45 = tpu.memref_slice %arg10[%dma_start3A_43, %dma_start3A_44] : memref<10112x128xf32, #tpu.memory_space<vmem_shared>> -> memref<10112x128xf32, #tpu.memory_space<vmem_shared>>
      tpu.enqueue_indirect_dma source(%arg8 : memref<128x128xf32, #tpu.memory_space<vmem>>) target(%dma_start3A_45 : memref<10112x128xf32, #tpu.memory_space<vmem_shared>>) offsets(%dma_start3A_42 : memref<128xi32, #tpu.memory_space<vmem>>) semaphore(%run_scoped3A_39 : memref<!tpu.dma_semaphore, #tpu.memory_space<semaphore_mem>>) {add = true}
      %dma_wait3A_46 = arith.constant 0 : i32
      %dma_wait3A_47 = tpu.memref_slice %arg6[%run_scoped3A_29, %dma_wait3A_46] : memref<2x128xi32, #tpu.memory_space<vmem>> -> memref<1x128xi32, #tpu.memory_space<vmem>>
      %dma_wait3A_48 = tpu.memref_squeeze %dma_wait3A_47 : memref<1x128xi32, #tpu.memory_space<vmem>> -> memref<128xi32, #tpu.memory_space<vmem>>
      %dma_wait3A_49 = arith.constant 0 : i32
      %dma_wait3A_50 = arith.constant 0 : i32
      %dma_wait3A_51 = tpu.memref_slice %arg10[%dma_wait3A_49, %dma_wait3A_50] : memref<10112x128xf32, #tpu.memory_space<vmem_shared>> -> memref<10112x128xf32, #tpu.memory_space<vmem_shared>>
      tpu.wait_indirect_dma semaphore(%run_scoped3A_39 : memref<!tpu.dma_semaphore, #tpu.memory_space<semaphore_mem>>) src(%arg8 : memref<128x128xf32, #tpu.memory_space<vmem>>) dst(%dma_wait3A_51 : memref<10112x128xf32, #tpu.memory_space<vmem_shared>>)
      tpu.yield
    }) : () -> ()
    %dma_wait3A_30 = arith.constant 0 : i32
    %dma_wait3A_31 = arith.constant 0 : i32
    %dma_wait3A_32 = tpu.memref_slice %arg7[%dma_wait3A_30, %dma_wait3A_31] : memref<2x128xi32, #tpu.memory_space<vmem>> -> memref<1x128xi32, #tpu.memory_space<vmem>>
    %dma_wait3A_33 = tpu.memref_squeeze %dma_wait3A_32 : memref<1x128xi32, #tpu.memory_space<vmem>> -> memref<128xi32, #tpu.memory_space<vmem>>
    %dma_wait3A_34 = arith.constant 0 : i32
    %dma_wait3A_35 = arith.constant 0 : i32
    %dma_wait3A_36 = tpu.memref_slice %arg2[%dma_wait3A_34, %dma_wait3A_35] : memref<10000x128xf32, #tpu.memory_space<hbm>> -> memref<10000x128xf32, #tpu.memory_space<hbm>>
    tpu.wait_indirect_dma semaphore(%arg12 : memref<!tpu.dma_semaphore, #tpu.memory_space<semaphore_mem>>) src(%dma_wait3A_36 : memref<10000x128xf32, #tpu.memory_space<hbm>>) dst(%arg9 : memref<128x128xf32, #tpu.memory_space<vmem>>)
    %run_scoped3A_37 = arith.constant 1 : i32
    "tpu.region"() ({
      %run_scoped3A_39 = tpu.sem_alloc : memref<!tpu.dma_semaphore, #tpu.memory_space<semaphore_mem>>
      %dma_start3A_40 = arith.constant 0 : i32
      %dma_start3A_41 = tpu.memref_slice %arg7[%run_scoped3A_37, %dma_start3A_40] : memref<2x128xi32, #tpu.memory_space<vmem>> -> memref<1x128xi32, #tpu.memory_space<vmem>>
      %dma_start3A_42 = tpu.memref_squeeze %dma_start3A_41 : memref<1x128xi32, #tpu.memory_space<vmem>> -> memref<128xi32, #tpu.memory_space<vmem>>
      %dma_start3A_43 = arith.constant 0 : i32
      %dma_start3A_44 = arith.constant 0 : i32
      %dma_start3A_45 = tpu.memref_slice %arg10[%dma_start3A_43, %dma_start3A_44] : memref<10112x128xf32, #tpu.memory_space<vmem_shared>> -> memref<10112x128xf32, #tpu.memory_space<vmem_shared>>
      tpu.enqueue_indirect_dma source(%arg9 : memref<128x128xf32, #tpu.memory_space<vmem>>) target(%dma_start3A_45 : memref<10112x128xf32, #tpu.memory_space<vmem_shared>>) offsets(%dma_start3A_42 : memref<128xi32, #tpu.memory_space<vmem>>) semaphore(%run_scoped3A_39 : memref<!tpu.dma_semaphore, #tpu.memory_space<semaphore_mem>>) {add = true}
      %dma_wait3A_46 = arith.constant 0 : i32
      %dma_wait3A_47 = tpu.memref_slice %arg7[%run_scoped3A_37, %dma_wait3A_46] : memref<2x128xi32, #tpu.memory_space<vmem>> -> memref<1x128xi32, #tpu.memory_space<vmem>>
      %dma_wait3A_48 = tpu.memref_squeeze %dma_wait3A_47 : memref<1x128xi32, #tpu.memory_space<vmem>> -> memref<128xi32, #tpu.memory_space<vmem>>
      %dma_wait3A_49 = arith.constant 0 : i32
      %dma_wait3A_50 = arith.constant 0 : i32
      %dma_wait3A_51 = tpu.memref_slice %arg10[%dma_wait3A_49, %dma_wait3A_50] : memref<10112x128xf32, #tpu.memory_space<vmem_shared>> -> memref<10112x128xf32, #tpu.memory_space<vmem_shared>>
      tpu.wait_indirect_dma semaphore(%run_scoped3A_39 : memref<!tpu.dma_semaphore, #tpu.memory_space<semaphore_mem>>) src(%arg9 : memref<128x128xf32, #tpu.memory_space<vmem>>) dst(%dma_wait3A_51 : memref<10112x128xf32, #tpu.memory_space<vmem_shared>>)
      tpu.yield
    }) : () -> ()
    %barrier3A_38 = arith.constant 0 : index
    tpu.barrier barrier_id(%barrier3A_38)
    "tpu.region"() ({
      %run_scoped3A_39 = tpu.sem_alloc : memref<!tpu.dma_semaphore, #tpu.memory_space<semaphore_mem>>
      %dma_start3A_40 = arith.constant 0 : i32
      %dma_start3A_41 = tpu.memref_slice %arg5[%arg0, %mul3A_2, %dma_start3A_40] : memref<2x10112x128xf32, #tpu.memory_space<hbm>> -> memref<1x632x128xf32, #tpu.memory_space<hbm>>
      %dma_start3A_42 = tpu.memref_squeeze %dma_start3A_41 : memref<1x632x128xf32, #tpu.memory_space<hbm>> -> memref<632x128xf32, #tpu.memory_space<hbm>>
      %dma_start3A_43 = arith.constant 0 : i32
      %dma_start3A_44 = tpu.memref_slice %arg10[%mul3A_2, %dma_start3A_43] : memref<10112x128xf32, #tpu.memory_space<vmem_shared>> -> memref<632x128xf32, #tpu.memory_space<vmem_shared>>
      tpu.enqueue_dma source(%dma_start3A_44 : memref<632x128xf32, #tpu.memory_space<vmem_shared>>) target(%dma_start3A_42 : memref<632x128xf32, #tpu.memory_space<hbm>>) target_semaphore(%run_scoped3A_39 : memref<!tpu.dma_semaphore, #tpu.memory_space<semaphore_mem>>)
      %dma_wait3A_45 = arith.constant 0 : i32
      %dma_wait3A_46 = tpu.memref_slice %arg5[%arg0, %mul3A_2, %dma_wait3A_45] : memref<2x10112x128xf32, #tpu.memory_space<hbm>> -> memref<1x632x128xf32, #tpu.memory_space<hbm>>
      %dma_wait3A_47 = tpu.memref_squeeze %dma_wait3A_46 : memref<1x632x128xf32, #tpu.memory_space<hbm>> -> memref<632x128xf32, #tpu.memory_space<hbm>>
      %dma_wait3A_48 = arith.constant 0 : i32
      %dma_wait3A_49 = tpu.memref_slice %arg10[%mul3A_2, %dma_wait3A_48] : memref<10112x128xf32, #tpu.memory_space<vmem_shared>> -> memref<632x128xf32, #tpu.memory_space<vmem_shared>>
      tpu.wait_dma2 semaphore(%run_scoped3A_39 : memref<!tpu.dma_semaphore, #tpu.memory_space<semaphore_mem>>) src(%dma_wait3A_49 : memref<632x128xf32, #tpu.memory_space<vmem_shared>>) dst(%dma_wait3A_47 : memref<632x128xf32, #tpu.memory_space<hbm>>)
      tpu.yield
    }) : () -> ()
    return
  }
}

</mosaic_0001>

<sc_bundles>
// kernel: _seg_sum_sc.3.cloned.1.call-start
scs
__scs_entry_jumppad:
0x0: {  	(pc) =	sbr.rel $0x88, $3  }
0x1: {  	(tag) =	ssettag $0x0;
	lr =	simm.s32 $0x1  }
0x2: {  	[smem:$0x3F9E] =	sst lr;
	_ =	strace $0xD0000000  }
0x3: {  	_ = 	snop  }
0x4: {  	_ = 	snop  }
0x5: {  	_ = 	snop  }
0x6: {  	_ = 	snop  }
0x7: {  	_ = 	snop  }
__scs_overlays_trampoline_lowered:
0x8: {  	[smem:$0x3FAD] =	sst s0  }
0x9: {  	[smem:$0x3FAE] =	sst s1  }
0xa: {  	[smem:$0x3FAF] =	sst s2  }
0xb: {  	[smem:$0x3FB0] =	sst s3  }
0xc: {  	[smem:$0x3FB1] =	sst s4  }
0xd: {  	[smem:$0x3FB2] =	sst s5  }
0xe: {  	[smem:$0x3FB3] =	sst s6  }
0xf: {  	[smem:$0x3FB4] =	sst s7  }
0x10: {  	[smem:$0x3FB5] =	sst s8  }
0x11: {  	[smem:$0x3FB6] =	sst s9;
	s0 =	simm.s32 @!p0 $0x0  }
0x12: {  	s1 =	sld [smem:$0x3F9C];
	s0 =	simm.s32 @p0 $0x1  }
0x13: {  	[smem:$0x3FB7] =	sst s0;
	s0 =	simm.s32 @!p1 $0x0  }
0x14: {  	s2 =	sld [smem:$0x3F9B];
	s0 =	simm.s32 @p1 $0x1  }
0x15: {  	[smem:$0x3FB8] =	sst s0;
	s0 =	simm.s32 @!p2 $0x0  }
0x16: {  	s3 =	sld [smem:$0x3FDB];
	s0 =	simm.s32 @p2 $0x1  }
0x17: {  	s4 =	simm.s32 $0x1BF5;
	[smem:$0x3FBA] =	sst s0  }
0x18: {  	s0 =	sld [smem:$0x3F9D];
	_ =	swait.ge [sflag:s4], $0x0  }
0x19: {  	s7 =	sld [smem:$0x3F9E]  }
0x1a: {  	s8 =	sadd.s32 $0xFFFFE003, lr  }
0x1b: {  	s9 =	sadd.s32 $0xFFFFFEF7, lr;
	s5 =	simm.s32 $0xFFFFFFFF;
	p2 =	slt.u32 s8, $0xFFFFF086  }
0x1c: {  	p1 =	slt.u32 s9, $0xF7A;
	s5 =	simm.s32 @!p2 $0x0  }
0x1d: {  	s5 =	simm.s32 @p1 $0x1;
	p0 =	seq.s32 s7, s2  }
0x1e: {  	s7 =	smul.u32 @!p0 $0xF7A, s2;
	p2 =	seq.s32 @!p0 s5, $0x0  }
0x1f: {  	s9 =	smul.u32 $0xF7A, s1;
	s8 =	simm.s32 @!p0 $0x1BF5;
	p2 =	por !p2, p0  }
0x20: {  	[sflag:s8] =	ssyncset.s32 @!p0 $0xFFFFF086;
	s6 =	sadd.s32 @!p0 s3, s7;
	s7 =	simm.s32 @!p0 $0x108  }
0x21: {  	s3 =	sadd.s32 s3, s9;
	s6 =	sadd.s32 @!p0 $0x88, s6;
	s7 =	simm.s32 @p2 $0x1082  }
0x22: {  	[simem:s7], [sflag:s8] =	dma.local @!p0 [hbm:s6], $0xF7A  }
0x23: {  	s9 =	sor.u32 $0xD0000000, s2;
	s6 =	simm.s32 $0x108;
	_ =	swait.ge @!p0 [sflag:s8], $0x0  }
0x24: {  	s3 =	sadd.s32 $0x88, s3;
	s6 =	simm.s32 @!p1 $0x1082;
	[sflag:s4] =	ssyncset.s32 $0xFFFFF086  }
0x25: {  	[simem:s6], [sflag:s4] =	dma.local [hbm:s3], $0xF7A  }
0x26: {  	[smem:$0x3F9E] =	sst s1;
	(tag) =	ssettag s2;
	_ =	strace s9  }
0x27: {  	s1 =	sld [smem:$0x3FAE]  }
0x28: {  	s2 =	sld [smem:$0x3FAF]  }
0x29: {  	s4 =	sld [smem:$0x3FB1]  }
0x2a: {  	p0 =	seq.s32 s5, $0x0;
	s5 =	sld [smem:$0x3FB2]  }
0x2b: {  	s6 =	sld [smem:$0x3FB3]  }
0x2c: {  	s7 =	sld [smem:$0x3FB4]  }
0x2d: {  	s3 =	simm.s32 $0x108;
	s8 =	sld [smem:$0x3FB5]  }
0x2e: {  	s3 =	simm.s32 @!p0 $0x1082;
	s9 =	sld [smem:$0x3FB6]  }
0x2f: {  	lr =	sadd.s32 s0, s3;
	s0 =	sld [smem:$0x3FAD]  }
0x30: {  	s3 =	sld [smem:$0x3FB0]  }
0x31: {  	[smem:$0x3FB9] =	sst s10  }
0x32: {  	s10 =	sld [smem:$0x3FB7];
	_ =	sdelay $0x3  }
0x33: {  	p0 =	seq.s32 s10, $0x1;
	s10 =	sld [smem:$0x3FB9];
	_ =	sdelay $0x3  }
0x34: {  	[smem:$0x3FB9] =	sst s10  }
0x35: {  	s10 =	sld [smem:$0x3FB8];
	_ =	sdelay $0x3  }
0x36: {  	p1 =	seq.s32 s10, $0x1;
	s10 =	sld [smem:$0x3FB9];
	_ =	sdelay $0x3  }
0x37: {  	[smem:$0x3FB9] =	sst s10  }
0x38: {  	s10 =	sld [smem:$0x3FBA]  }
0x39: {  	_ = 	snop;
	(pc) =	sbr.ind lr, $3  }
0x3a: {  	_ = 	snop  }
0x3b: {  	_ = 	snop  }
0x3c: {  	p2 =	seq.s32 s10, $0x1;
	s10 =	sld [smem:$0x3FB9]  }
0x3d: {  	_ =	shalt  }
0x3e: {  	_ =	shalt  }
0x3f: {  	_ =	shalt  }
0x40: {  	_ =	shalt  }
0x41: {  	_ =	shalt  }
0x42: {  	_ =	shalt  }
0x43: {  	_ =	shalt  }
0x44: {  	_ =	shalt  }
0x45: {  	_ =	shalt  }
0x46: {  	_ =	shalt  }
0x47: {  	_ =	shalt  }
0x48: {  	_ =	shalt  }
0x49: {  	_ =	shalt  }
0x4a: {  	_ =	shalt  }
0x4b: {  	_ =	shalt  }
0x4c: {  	_ =	shalt  }
0x4d: {  	_ =	shalt  }
0x4e: {  	_ =	shalt  }
0x4f: {  	_ =	shalt  }
0x50: {  	_ =	shalt  }
0x51: {  	_ =	shalt  }
0x52: {  	_ =	shalt  }
0x53: {  	_ =	shalt  }
0x54: {  	_ =	shalt  }
0x55: {  	_ =	shalt  }
0x56: {  	_ =	shalt  }
0x57: {  	_ =	shalt  }
0x58: {  	_ =	shalt  }
0x59: {  	_ =	shalt  }
0x5a: {  	_ =	shalt  }
0x5b: {  	_ =	shalt  }
0x5c: {  	_ =	shalt  }
0x5d: {  	_ =	shalt  }
0x5e: {  	_ =	shalt  }
0x5f: {  	_ =	shalt  }
0x60: {  	_ =	shalt  }
0x61: {  	_ =	shalt  }
0x62: {  	_ =	shalt  }
0x63: {  	_ =	shalt  }
0x64: {  	_ =	shalt  }
0x65: {  	_ =	shalt  }
0x66: {  	_ =	shalt  }
0x67: {  	_ =	shalt  }
0x68: {  	_ =	shalt  }
0x69: {  	_ =	shalt  }
0x6a: {  	_ =	shalt  }
0x6b: {  	_ =	shalt  }
0x6c: {  	_ =	shalt  }
0x6d: {  	_ =	shalt  }
0x6e: {  	_ =	shalt  }
0x6f: {  	_ =	shalt  }
0x70: {  	_ =	shalt  }
0x71: {  	_ =	shalt  }
0x72: {  	_ =	shalt  }
0x73: {  	_ =	shalt  }
0x74: {  	_ =	shalt  }
0x75: {  	_ =	shalt  }
0x76: {  	_ =	shalt  }
0x77: {  	_ =	shalt  }
0x78: {  	_ =	shalt  }
0x79: {  	_ =	shalt  }
0x7a: {  	_ =	shalt  }
0x7b: {  	_ =	shalt  }
0x7c: {  	_ =	shalt  }
0x7d: {  	_ =	shalt  }
0x7e: {  	_ =	shalt  }
0x7f: {  	_ =	shalt  }
0x80: {  	_ =	shalt  }
0x81: {  	_ =	shalt  }
0x82: {  	_ =	shalt  }
0x83: {  	_ =	shalt  }
0x84: {  	_ =	shalt  }
0x85: {  	_ =	shalt  }
0x86: {  	_ =	shalt  }
0x87: {  	_ =	shalt  }
.Lfunc_end0:
.L_simem_size_0:
called_computation_lowered:
.L_overlay_start_0:
0x88: {  	s2 =	sld [smem:$0x3FD9]  }
0x89: {  	s3 =	sld [smem:$0x3FFE];
	_ =	sdelay $0x1  }
0x8a: {  	s1 =	srdreg.scid  }
0x8b: {  	s0 =	sand.u32 $0x1, s1  }
0x8c: {  	s18 =	sshll.u32 s0, $0xA;
	s2 =	sadd.s32 s3, s2  }
0x8d: {  	s2 =	sadd.s32 s2, s18  }
0x8e: {  	[smem:$0x3FC5] =	sst s2  }
0x8f: {  	_ = 	snop  }
0x90: {  	s2 =	sld [smem:$0x3FC9]  }
0x91: {  	s19 =	sld [smem:$0x3FC8]  }
0x92: {  	s4 =	sld [smem:$0x3FC7]  }
0x93: {  	s5 =	sld [smem:$0x3FD0];
	(tm) =	ssettm $0x1  }
0x94: {  	s6 =	sld [smem:$0x3FFB];
	_ =	sdelay $0x3  }
0x95: {  	_ =	strace s6  }
0x96: {  	s6 =	sld [smem:$0x3FFC];
	_ =	sdelay $0x3  }
0x97: {  	_ =	strace s6  }
0x98: {  	s6 =	sld [smem:$0x3FFD];
	_ =	sdelay $0x3  }
0x99: {  	_ =	strace s6  }
0x9a: {  	_ =	strace $0x8FFFFFFF  }
0x9b: {  	s20 =	sld [smem:$0x3FDB];
	_ =	sdelay $0x1  }
0x9c: {  	s7 =	simm.s32 $_scs_section_size  }
0x9d: {  	s8 =	simm.s32 $_size__tile_overlayer_lowered;
	s9 =	simm.s32 $_tile_overlayer_lowered  }
0x9e: {  	s23 =	simm.s32 $0x1BFF;
	s22 =	sshll.u32 s9, $0x1;
	s6 =	sadd.s32 s7, s20  }
0x9f: {  	s10 =	simm.s32 $0x0;
	s21 =	sshll.u32 s8, $0x1;
	s8 =	sadd.s32 s22, s6  }
0xa0: {  	[timem:s10], [sflag:s23] =	dma.local [hbm:s8], s21  }
0xa1: {  	_ =	swait.ge [sflag:s23], s21  }
0xa2: {  	s7 =	ssub.s32 $0x0, s21;
	[sflag:s23] =	ssyncset.done $0x0  }
0xa3: {  	[sflag:s23] =	ssyncadd.s32 s7;
	_ =	sdelay $0x1  }
0xa4: {  	s24 =	simm.s32 $0x1B8B  }
0xa5: {  	_ =	swait.ge [sflag:s24], $0x1  }
0xa6: {  	[sflag:s24] =	ssyncset.done $0x0  }
0xa7: {  	s25 =	simm.s32 $0x1B8E;
	[sflag:s24] =	ssyncadd.s32 $0xFFFFFFFF  }
0xa8: {  	s26 =	simm.s32 $execute0_lowered;
	[smem:$0x3FD2] =	sst s25  }
0xa9: {  	s7 =	sshll.u32 s26, $0x1;
	_ =	strace $0x80000046;
	[dreg:$0x1] =	wrdreg $0xFFFFFFFF  }
0xaa: {  	s28 =	simm.s32 $_size_execute0_lowered;
	s6 =	sadd.s32 s6, s7;
	[dreg:$0x0] =	wrdreg $0x0  }
0xab: {  	s7 =	sshll.u32 s28, $0x1;
	[dreg:$0x2] =	wrdreg s6  }
0xac: {  	[dreg:$0x3] =	wrdreg s7  }
0xad: {  	[dreg:$0x4] =	wrdreg $0xC0  }
0xae: {  	_ =	task [dreg:s10], $0x5FFFF  }
0xaf: {  	[dreg:$0x1] =	wrdreg $0xFFFFFFFF  }
0xb0: {  	[dreg:$0x0] =	wrdreg $0x60  }
0xb1: {  	[dreg:$0x2] =	wrdreg s2  }
0xb2: {  	[dreg:$0x3] =	wrdreg s19  }
0xb3: {  	[dreg:$0x4] =	wrdreg s4  }
0xb4: {  	[dreg:$0x5] =	wrdreg s5  }
0xb5: {  	[dreg:$0x6] =	wrdreg $0x82000  }
0xb6: {  	[dreg:$0x7] =	wrdreg $0x9  }
0xb7: {  	_ =	task.clear_ibuf [dreg:s10], $0x8FFFF;
	_ =	strace $0x90000046  }
0xb8: {  	s29 =	simm.s32 $0x9;
	_ =	strace $0x80000048  }
0xb9: {  	_ =	swait.ge [sflag:s29], $0x1  }
0xba: {  	[sflag:s29] =	ssyncadd.s32 $0xFFFFFFFF  }
0xbb: {  	_ =	strace $0x90000048  }
0xbc: {  	_ =	sfence  }
0xbd: {  	s30 =	sld [smem:$0x0];
	_ =	sdelay $0x2  }
0xbe: {  	s31 =	sshll.u32 s1, $0xD;
	s1 =	sshrl.u32 s1, $0x2  }
0xbf: {  	s3 =	sand.u32 $0x4000, s31;
	s1 =	sadd.s32 s1, s30  }
0xc0: {  	s0 =	sor.u32 s3, s0;
	s1 =	sshll.u32 s1, $0x11  }
0xc1: {  	s0 =	sor.u32 s1, s0  }
0xc2: {  	s0 =	sadd.s32 $0x8F2B, s0  }
0xc3: {  	[sflag:s0] =	ssyncadd.remote.s32 $0x1  }
0xc4: {  	_ =	sfence.sel $0xFFFF  }
0xc5: {  	[dreg:$0x0] =	wrdreg $0xFFFFFFFF;
	(pc) =	sbr.abs _section_cstart, $3  }
0xc6: {  	[dreg:$0x1] =	wrdreg $0xFFFFFFFF  }
0xc7: {  	_ =	task.clear_ibuf [dreg:s10], $0x2FFFF;
	_ =	strace $0x9FFFFFFF  }
0xc8: {  	(tm) =	ssettm $0x7FFFFFFF  }
0xc9: {  	_ =	shalt  }
tec
execute0_lowered:
.L_overlay_start_1:
0x0: {  	(tag) =	ssettag $0x1  }
0x1: {  	s1 =	rddreg [dreg:$0x0]  }
0x2: {  	s12 =	rddreg [dreg:$0x1]  }
0x3: {  	s5 =	rddreg [dreg:$0x2]  }
0x4: {  	s9 =	rddreg [dreg:$0x3]  }
0x5: {  	s2 =	rddreg [dreg:$0x4];
	s3 =	srdreg.scid  }
0x6: {  	s0 =	rddreg [dreg:$0x5];
	s4 =	simm.s32 $0x0;
	s17 =	simm.s32 $0x100  }
0x7: {  	s18 =	simm.s32 $0x4200;
	s19 =	simm.s32 $0x1;
	s20 =	simm.s32 $0x2  }
0x8: {  	s21 =	simm.s32 $0x180;
	s6 =	sand.u32 $0x1, s3;
	s3 =	stileid.u32  }
0x9: {  	s22 =	simm.s32 $0x0;
	[smem:$0x7FF] =	sst s4;
	s10 =	smul.u32 $0x13C00, s3  }
0xa: {  	s7 =	sshll.u32 s6, $0x4;
	s8 =	ssub.s32 $0x2, s6;
	s13 =	smul.u32 $0x13C000, s6  }
0xb: {  	_ =	strace $0x80000047;
	s15 =	smul.u32 $0x50000, s6;
	s29 =	sshll.u32 s3, $0x6  }
0xc: {  	s16 =	smul.u32 $0x5000, s3;
	s7 =	sor.u32 s3, s7;
	s11 =	sshrl.u32 s8, $0x1  }
0xd: {  	s6 =	sor.u32 $0x1C03, s29;
	s7 =	smul.u32 $0x5000, s7;
	s11 =	ssub.s32 s8, s11  }
0xe: {  	s28 =	sshrl.u32 s10, $0x3;
	s14 =	sadd.s32 s10, s2;
	s10 =	sadd.s32 s10, s13  }
0xf: {  	s30 =	sadd.s32 s16, s15;
	s16 =	simm.s32 $0x200;
	s5 =	sadd.s32 s5, s28  }
0x10: {  	s10 =	sshrl.u32 s10, $0x3;
	s15 =	sor.u32 $0x300, s30;
	s13 =	sor.u32 $0x200, s30  }
0x11: {  	s7 =	sshrl.u32 s7, $0x3;
	s9 =	sadd.s32 s9, s10;
	s10 =	smax.u32 s11, $0x1  }
0x12: {  	s31 =	sshrl.u32 s15, $0x3;
	s13 =	sshrl.u32 s13, $0x3;
	s15 =	simm.s32 $0x80  }
0x13: {  	s7 =	sadd.s32 s12, s7;
	s11 =	sadd.s32 s31, s12;
	s12 =	sadd.s32 s13, s12  }
0x14: {  	s13 =	sshrl.u32 s14, $0x3;
	s14 =	simm.s32 $0x3;
	s8 =	sadd.s32 $0x20, s7  }
.LBB2_1:
0x15: {  	[spmem:s13], [sflag:s6] =	dma.local [hbm:s5], $0x2780  }
0x16: {  	_ =	swait.ge [sflag:s14], $0x2780  }
0x17: {  	[sflag:s14] =	ssyncset.done $0x0  }
0x18: {  	[sflag:s14] =	ssyncadd.s32 $0xFFFFD880  }
0x19: {  	[bflag:$0x0] =	sbarrier.arrive $0xFFFF  }
0x1a: {  	[tilespmem:s4], [sflag:$0x3] =	stream.linear.gather [hbm4b:s7+s4], $0x100, $0x38;
	[tilespmem:$0x1BE00] =	vst v63  }
0x1b: {  	_ =	swait.ge [sflag:s14], $0x100  }
0x1c: {  	[sflag:s14] =	ssyncset.done $0x0  }
0x1d: {  	[sflag:s14] =	ssyncadd.s32 $0xFFFFFF00  }
0x1e: {  	[tilespmem:s16], [sflag:$0x1] =	stream.indirect.gather [hbm4b:s1+s15], $0x80, s4, s15, $0xb8;
	[tilespmem:$0x1BE00] =	vst v63  }
0x1f: {  	_ = 	snop  }
0x20: {  	[tilespmem:s17], [sflag:$0x3] =	stream.linear.gather [hbm4b:s8+s4], $0x100, $0x38;
	[tilespmem:$0x1BE00] =	vst v63  }
0x21: {  	_ =	swait.ge [sflag:s14], $0x100  }
0x22: {  	[sflag:s14] =	ssyncset.done $0x0  }
0x23: {  	[sflag:s14] =	ssyncadd.s32 $0xFFFFFF00  }
0x24: {  	[tilespmem:s18], [sflag:$0x2] =	stream.indirect.gather [hbm4b:s1+s15], $0x80, s17, s15, $0xb8;
	[tilespmem:$0x1BE00] =	vst v63  }
0x25: {  	_ =	swait.ge [sflag:s19], $0x4000  }
0x26: {  	[sflag:s19] =	ssyncset.done $0x0  }
0x27: {  	[sflag:s19] =	ssyncadd.s32 $0xFFFFC000  }
0x28: {  	[spmem:s2] =	stream.indirect.scatter.add.f32 [tilespmem:s16], [sflag:$0x3], $0x80, s15, s15, $0xb8;
	[tilespmem:$0x1BE00] =	vst v63  }
0x29: {  	_ =	swait.ge [sflag:s14], $0x4000  }
0x2a: {  	[sflag:s14] =	ssyncset.done $0x0  }
0x2b: {  	s23 =	sadd.s32 $0x0, s12;
	[sflag:s14] =	ssyncadd.s32 $0xFFFFC000  }
0x2c: {  	[tilespmem:s4], [sflag:$0x3] =	stream.linear.gather [hbm4b:s23+s4], $0x100, $0x38;
	[tilespmem:$0x1BE00] =	vst v63  }
0x2d: {  	_ =	swait.ge [sflag:s14], $0x100  }
0x2e: {  	[sflag:s14] =	ssyncset.done $0x0  }
0x2f: {  	[sflag:s14] =	ssyncadd.s32 $0xFFFFFF00  }
0x30: {  	[tilespmem:s16], [sflag:$0x1] =	stream.indirect.gather [hbm4b:s1+s15], $0x80, s4, s15, $0xb8;
	[tilespmem:$0x1BE00] =	vst v63  }
0x31: {  	_ =	swait.ge [sflag:s20], $0x4000  }
0x32: {  	[sflag:s20] =	ssyncset.done $0x0  }
0x33: {  	[sflag:s20] =	ssyncadd.s32 $0xFFFFC000  }
0x34: {  	[spmem:s2] =	stream.indirect.scatter.add.f32 [tilespmem:s18], [sflag:$0x3], $0x80, s21, s15, $0xb8;
	[tilespmem:$0x1BE00] =	vst v63  }
0x35: {  	_ =	swait.ge [sflag:s14], $0x4000  }
0x36: {  	[sflag:s14] =	ssyncset.done $0x0  }
0x37: {  	s31 =	sadd.s32 $0x0, s11;
	[sflag:s14] =	ssyncadd.s32 $0xFFFFC000  }
0x38: {  	[tilespmem:s17], [sflag:$0x3] =	stream.linear.gather [hbm4b:s31+s4], $0x100, $0x38;
	[tilespmem:$0x1BE00] =	vst v63  }
0x39: {  	_ =	swait.ge [sflag:s14], $0x100  }
0x3a: {  	[sflag:s14] =	ssyncset.done $0x0  }
0x3b: {  	s23 =	simm.s32 $0x40;
	[sflag:s14] =	ssyncadd.s32 $0xFFFFFF00  }
.LBB2_2:
0x3c: {  	[tilespmem:s18], [sflag:$0x2] =	stream.indirect.gather [hbm4b:s1+s15], $0x80, s17, s15, $0xb8;
	[tilespmem:$0x1BE00] =	vst v63  }
0x3d: {  	s24 =	smov.u32 s23  }
0x3e: {  	p0 =	sne.s32 s23, $0x980;
	s23 =	sadd.s32 $0x40, s23;
	_ =	swait.ge [sflag:s19], $0x4000  }
0x3f: {  	[sflag:s19] =	ssyncset.done $0x0  }
0x40: {  	[sflag:s19] =	ssyncadd.s32 $0xFFFFC000  }
0x41: {  	[spmem:s2] =	stream.indirect.scatter.add.f32 [tilespmem:s16], [sflag:$0x3], $0x80, s15, s15, $0xb8;
	[tilespmem:$0x1BE00] =	vst v63  }
0x42: {  	_ =	swait.ge [sflag:s14], $0x4000  }
0x43: {  	[sflag:s14] =	ssyncset.done $0x0  }
0x44: {  	s25 =	sadd.s32 s24, s12;
	[sflag:s14] =	ssyncadd.s32 $0xFFFFC000  }
0x45: {  	[tilespmem:s4], [sflag:$0x3] =	stream.linear.gather [hbm4b:s25+s4], $0x100, $0x38;
	[tilespmem:$0x1BE00] =	vst v63  }
0x46: {  	_ =	swait.ge [sflag:s14], $0x100  }
0x47: {  	[sflag:s14] =	ssyncset.done $0x0  }
0x48: {  	[sflag:s14] =	ssyncadd.s32 $0xFFFFFF00  }
0x49: {  	[tilespmem:s16], [sflag:$0x1] =	stream.indirect.gather [hbm4b:s1+s15], $0x80, s4, s15, $0xb8;
	[tilespmem:$0x1BE00] =	vst v63  }
0x4a: {  	_ =	swait.ge [sflag:s20], $0x4000  }
0x4b: {  	[sflag:s20] =	ssyncset.done $0x0  }
0x4c: {  	[sflag:s20] =	ssyncadd.s32 $0xFFFFC000  }
0x4d: {  	[spmem:s2] =	stream.indirect.scatter.add.f32 [tilespmem:s18], [sflag:$0x3], $0x80, s21, s15, $0xb8;
	[tilespmem:$0x1BE00] =	vst v63  }
0x4e: {  	_ =	swait.ge [sflag:s14], $0x4000  }
0x4f: {  	[sflag:s14] =	ssyncset.done $0x0  }
.Ltmp0:
0x50: {  	s24 =	sadd.s32 s24, s11;
	[sflag:s14] =	ssyncadd.s32 $0xFFFFC000;
	(pc) =	sbr.rel @p0 .LBB2_2-.Ltmp0, $4  }
0x51: {  	[tilespmem:s17], [sflag:$0x3] =	stream.linear.gather [hbm4b:s24+s4], $0x100, $0x38;
	[tilespmem:$0x1BE00] =	vst v63  }
0x52: {  	_ =	swait.ge [sflag:s14], $0x100  }
0x53: {  	[sflag:s14] =	ssyncset.done $0x0  }
0x54: {  	[sflag:s14] =	ssyncadd.s32 $0xFFFFFF00  }
0x55: {  	[tilespmem:s18], [sflag:$0x2] =	stream.indirect.gather [hbm4b:s1+s15], $0x80, s17, s15, $0xb8;
	[tilespmem:$0x1BE00] =	vst v63  }
0x56: {  	_ =	swait.ge [sflag:s19], $0x4000  }
0x57: {  	[sflag:s19] =	ssyncset.done $0x0  }
0x58: {  	[sflag:s19] =	ssyncadd.s32 $0xFFFFC000  }
0x59: {  	[spmem:s2] =	stream.indirect.scatter.add.f32 [tilespmem:s16], [sflag:$0x3], $0x80, s15, s15, $0xb8;
	[tilespmem:$0x1BE00] =	vst v63  }
0x5a: {  	_ =	swait.ge [sflag:s14], $0x4000  }
0x5b: {  	[sflag:s14] =	ssyncset.done $0x0  }
0x5c: {  	[sflag:s14] =	ssyncadd.s32 $0xFFFFC000  }
0x5d: {  	_ =	swait.ge [sflag:s20], $0x4000  }
0x5e: {  	[sflag:s20] =	ssyncset.done $0x0  }
0x5f: {  	[sflag:s20] =	ssyncadd.s32 $0xFFFFC000  }
0x60: {  	[spmem:s2] =	stream.indirect.scatter.add.f32 [tilespmem:s18], [sflag:$0x3], $0x80, s21, s15, $0xb8;
	[tilespmem:$0x1BE00] =	vst v63  }
0x61: {  	_ =	swait.ge [sflag:s14], $0x4000  }
0x62: {  	s22 =	sadd.s32 $0x1, s22;
	[sflag:s14] =	ssyncset.done $0x0  }
0x63: {  	p0 =	sne.s32 s22, s10;
	[sflag:s14] =	ssyncadd.s32 $0xFFFFC000  }
.Ltmp1:
0x64: {  	[bflag:$0x0] =	sbarrier.arrive $0xFFFF;
	(pc) =	sbr.rel @p0 .LBB2_1-.Ltmp1, $4  }
0x65: {  	[hbm:s9], [sflag:s6] =	dma.local [spmem:s13], $0x2780  }
0x66: {  	_ =	swait.ge [sflag:s14], $0x2780  }
0x67: {  	[sflag:s14] =	ssyncset.done $0x0  }
0x68: {  	[sflag:s14] =	ssyncadd.s32 $0xFFFFD880  }
0x69: {  	_ =	sfence.sel $0x180000  }
0x6a: {  	[bflag:$0x0] =	sbarrier.arrive $0xFFFF  }
0x6b: {  	p0 =	sne.s32 s3, $0x0;
	_ =	strace $0x90000047  }
0x6c: {  	s0 =	sadd.s32 @!p0 $0x100000, s0;
	[bflag:$0x2] =	sbarrier.arrive $0xFFFF  }
0x6d: {  	[sflag:s0] =	ssyncadd.tile.s32 @!p0 $0x1;
	_ =	shalt  }
.Lfunc_end2:
_tile_overlayer_lowered:
.L_overlay_start_2:
0x6e: {  	(tag) =	ssettag $0x2  }
0x6f: {  	s0 =	rddreg [dreg:$0x0];
	s2 =	stileid.u32  }
0x70: {  	s1 =	rddreg [dreg:$0x1];
	p0 =	sne.s32 s2, $0x0  }
0x71: {  	s3 =	rddreg [dreg:$0x2];
	[bflag:$0x3] =	sbarrier.arrive $0xFFFF;
	s2 =	simm.s32 @!p0 $0x1C03  }
0x72: {  	[timem:s3], [sflag:s2] =	dma.local @!p0 [hbm:s0], s1  }
0x73: {  	s0 =	simm.s32 @!p0 $0x3  }
0x74: {  	_ =	swait.ge @!p0 [sflag:s0], s1  }
0x75: {  	s1 =	ssub.s32 @!p0 $0x0, s1;
	[sflag:s0] =	ssyncset.done @!p0 $0x0  }
0x76: {  	[sflag:s0] =	ssyncadd.s32 @!p0 s1  }
0x77: {  	[bflag:$0x3] =	sbarrier.arrive $0xFFFF  }
0x78: {  	_ =	shalt  }

</sc_bundles>
